<compile_context>
chip_gen: v7x
topology: tpu7x:2x2x1
jax: 0.10.2.dev20260603
libtpu: 0.0.44.dev20260713+nightly
codegen_flags: <defaults>
</compile_context>

<pallas_src>
import functools

import jax
import jax.numpy as jnp
from jax import lax
from jax.experimental import pallas as pl
from jax.experimental.pallas import tpu as pltpu
from jax.experimental.pallas import tpu_sc as plsc

_B = 16384
_W = 128
_NW = 32
_RPW = _B // _NW
_CHUNK = 128
_NCHUNK = _RPW // _CHUNK


def _sc_body(ids_hbm, ent_hbm, rel_hbm, out_hbm,
             idx_v, hbuf, rbuf, tbuf, outv, sem_i, sem):
    c = lax.axis_index("c")
    s = lax.axis_index("s")
    wid = s * 2 + c
    base = wid * _RPW

    c0 = pltpu.async_copy(ids_hbm.at[pl.ds(base, _RPW)],
                          idx_v.at[pl.ds(0, _RPW)], sem_i)
    c1 = pltpu.async_copy(ids_hbm.at[pl.ds(_B + base, _RPW)],
                          idx_v.at[pl.ds(_RPW, _RPW)], sem_i)
    c2 = pltpu.async_copy(ids_hbm.at[pl.ds(2 * _B + base, _RPW)],
                          idx_v.at[pl.ds(2 * _RPW, _RPW)], sem_i)
    c0.wait()
    c1.wait()
    c2.wait()

    lane = lax.iota(jnp.int32, 16)
    sixteen = jnp.full((16,), 16, jnp.int32)
    rot = [lax.rem(lane + (1 << p), sixteen) for p in range(4)]

    def fire(j):
        offs = lax.rem(j, 2) * _CHUNK
        dsl = pl.ds(offs, _CHUNK)
        sl = pl.ds(j * _CHUNK, _CHUNK)
        pltpu.async_copy(ent_hbm.at[idx_v.at[sl]], hbuf.at[dsl], sem)
        pltpu.async_copy(rel_hbm.at[idx_v.at[pl.ds(_RPW + j * _CHUNK, _CHUNK)]],
                         rbuf.at[dsl], sem)
        pltpu.async_copy(ent_hbm.at[idx_v.at[pl.ds(2 * _RPW + j * _CHUNK, _CHUNK)]],
                         tbuf.at[dsl], sem)

    fire(0)

    def chunk_step(j, _):
        offs = lax.rem(j, 2) * _CHUNK
        for ref in (hbuf, rbuf, tbuf):
            pltpu.make_async_copy(
                ent_hbm.at[idx_v.at[pl.ds(0, _CHUNK)]],
                ref.at[pl.ds(offs, _CHUNK)], sem).wait()

        @pl.when(j + 1 < _NCHUNK)
        def _():
            fire(j + 1)

        def group(g, _):
            def row(r, scores):
                rr = offs + g * 16 + r
                acc = jnp.zeros((16,), jnp.float32)
                for k in range(4):
                    sl_re = pl.ds(k * 16, 16)
                    sl_im = pl.ds(64 + k * 16, 16)
                    hre = hbuf[rr, sl_re]
                    him = hbuf[rr, sl_im]
                    rre = rbuf[rr, sl_re]
                    rim = rbuf[rr, sl_im]
                    tre = tbuf[rr, sl_re]
                    tim = tbuf[rr, sl_im]
                    m1 = rre * tre + rim * tim
                    m2 = rre * tim - rim * tre
                    acc = acc + hre * m1 + him * m2
                for p in range(4):
                    acc = acc + acc.at[rot[p]].get(mode="promise_in_bounds")
                return jnp.where(lane == r, acc, scores)

            scores = lax.fori_loop(0, 16, row, jnp.zeros((16,), jnp.float32))
            outv[pl.ds(j * _CHUNK + g * 16, 16)] = scores
            return 0

        lax.fori_loop(0, _CHUNK // 16, group, 0)
        return 0

    lax.fori_loop(0, _NCHUNK, chunk_step, 0)

    pltpu.sync_copy(outv, out_hbm.at[pl.ds(base, _RPW)])


@functools.partial(
    pl.kernel,
    out_type=jax.ShapeDtypeStruct((_B,), jnp.float32),
    mesh=plsc.VectorSubcoreMesh(core_axis_name="c", subcore_axis_name="s"),
    scratch_types=[
        pltpu.VMEM((3 * _RPW,), jnp.int32),
        pltpu.VMEM((2 * _CHUNK, _W), jnp.float32),
        pltpu.VMEM((2 * _CHUNK, _W), jnp.float32),
        pltpu.VMEM((2 * _CHUNK, _W), jnp.float32),
        pltpu.VMEM((_RPW,), jnp.float32),
        pltpu.SemaphoreType.DMA,
        pltpu.SemaphoreType.DMA,
    ],
    compiler_params=pltpu.CompilerParams(needs_layout_passes=False),
)
def _complex_score(ids, ent, rel, out, *scratch):
    _sc_body(ids, ent, rel, out, *scratch)


def kernel(head_ids, relation_ids, tail_ids, entity_table, relation_table):
    ids = jnp.concatenate([head_ids, relation_ids, tail_ids])
    return _complex_score(ids, entity_table, relation_table)

# --- scband reference (transcript-rebuilt; emitter-appended) ---
"""Pipeline reference for scband-compl-ex-83167746719876 (READ-ONLY COPY).

The authoritative reference and input builder live on the scoring server;
editing this copy changes nothing except your own understanding.
"""

import jax, jax.numpy as jnp
import numpy as np

NUM_ENTITIES = 100000
NUM_RELATIONS = 1000
EMB_DIM = 64  # complex dimension; stored table width is 2*EMB_DIM (real | imag)
BATCH = 16384


def setup_inputs(seed: int = 0) -> dict:
    key = jax.random.key(seed)
    k1, k2, k3, k4, k5 = jax.random.split(key, 5)
    # xavier_uniform limits for the two tables
    lim_e = float(np.sqrt(6.0 / (NUM_ENTITIES + 2 * EMB_DIM)))
    lim_r = float(np.sqrt(6.0 / (NUM_RELATIONS + 2 * EMB_DIM)))
    entity_table = jax.random.uniform(
        k1, (NUM_ENTITIES, 2 * EMB_DIM), minval=-lim_e, maxval=lim_e, dtype=jnp.float32)
    relation_table = jax.random.uniform(
        k2, (NUM_RELATIONS, 2 * EMB_DIM), minval=-lim_r, maxval=lim_r, dtype=jnp.float32)
    head_ids = jax.random.randint(k3, (BATCH,), 0, NUM_ENTITIES, dtype=jnp.int32)
    relation_ids = jax.random.randint(k4, (BATCH,), 0, NUM_RELATIONS, dtype=jnp.int32)
    tail_ids = jax.random.randint(k5, (BATCH,), 0, NUM_ENTITIES, dtype=jnp.int32)
    return {
        "head_ids": head_ids,
        "relation_ids": relation_ids,
        "tail_ids": tail_ids,
        "entity_table": entity_table,
        "relation_table": relation_table,
    }


def reference(head_ids, relation_ids, tail_ids, entity_table, relation_table):
    # embedding gathers
    head = jnp.take(entity_table, head_ids, axis=0)      # [B, 2D]
    relation = jnp.take(relation_table, relation_ids, axis=0)  # [B, 2D]
    tail = jnp.take(entity_table, tail_ids, axis=0)      # [B, 2D]
    d = head.shape[-1] // 2
    head_re, head_im = head[..., :d], head[..., d:]
    rel_re, rel_im = relation[..., :d], relation[..., d:]
    tail_re, tail_im = tail[..., :d], tail[..., d:]
    score = (
        (head_re * rel_re * tail_re).sum(axis=-1)
        + (head_re * rel_im * tail_im).sum(axis=-1)
        + (head_im * rel_re * tail_im).sum(axis=-1)
        - (head_im * rel_im * tail_re).sum(axis=-1)
    )
    return score

if __name__ == "__main__":
    import jax
    _d = setup_inputs()
    print(jax.jit(kernel)(*tuple(_d.values())))

</pallas_src>

<mosaic_0001>
#map = affine_map<(d0, d1) -> (0)>
#map1 = affine_map<(d0, d1) -> (0, 0)>
module attributes {stable_mosaic.version = 14 : i64} {
  func.func @_complex_score(%arg0: i32, %arg1: i32, %arg2: memref<49152xi32, #tpu.memory_space<hbm>>, %arg3: memref<100000x128xf32, #tpu.memory_space<hbm>>, %arg4: memref<1000x128xf32, #tpu.memory_space<hbm>>, %arg5: memref<16384xf32, #tpu.memory_space<hbm>>, %arg6: memref<1536xi32, #tpu.memory_space<vmem>>, %arg7: memref<256x128xf32, #tpu.memory_space<vmem>>, %arg8: memref<256x128xf32, #tpu.memory_space<vmem>>, %arg9: memref<256x128xf32, #tpu.memory_space<vmem>>, %arg10: memref<512xf32, #tpu.memory_space<vmem>>, %arg11: memref<!tpu.dma_semaphore, #tpu.memory_space<semaphore_mem>>, %arg12: memref<!tpu.dma_semaphore, #tpu.memory_space<semaphore_mem>>) attributes {dimension_semantics = [#tpu.dimension_semantics<core_parallel>, #tpu.dimension_semantics<subcore_parallel>], iteration_bounds = array<i64: 2, 16>, scalar_prefetch = 0 : i64, scratch_operands = 7 : i64, tpu.core_type = #tpu.core_type<sc_vector_subcore>, window_params = [{transform_indices = #map}, {transform_indices = #map1}, {transform_indices = #map1}, {transform_indices = #map}]} {
    %mul3A = arith.constant 2 : i32
    %mul3A_0 = arith.muli %arg1, %mul3A : i32
    %add3A = arith.addi %mul3A_0, %arg0 : i32
    %mul3A_1 = arith.constant 512 : i32
    %mul3A_2 = arith.muli %add3A, %mul3A_1 : i32
    %dma_start3A = arith.constant 0 : i32
    %dma_start3A_3 = tpu.memref_slice %arg6[%dma_start3A] : memref<1536xi32, #tpu.memory_space<vmem>> -> memref<512xi32, #tpu.memory_space<vmem>>
    %dma_start3A_4 = tpu.memref_slice %arg2[%mul3A_2] : memref<49152xi32, #tpu.memory_space<hbm>> -> memref<512xi32, #tpu.memory_space<hbm>>
    %dma_start3A_5 = arith.constant 0 : i32
    %dma_start3A_6 = tpu.memref_slice %arg6[%dma_start3A_5] : memref<1536xi32, #tpu.memory_space<vmem>> -> memref<512xi32, #tpu.memory_space<vmem>>
    %dma_start3A_7 = tpu.memref_slice %arg2[%mul3A_2] : memref<49152xi32, #tpu.memory_space<hbm>> -> memref<512xi32, #tpu.memory_space<hbm>>
    tpu.enqueue_dma source(%dma_start3A_7 : memref<512xi32, #tpu.memory_space<hbm>>) target(%dma_start3A_6 : memref<512xi32, #tpu.memory_space<vmem>>) target_semaphore(%arg11 : memref<!tpu.dma_semaphore, #tpu.memory_space<semaphore_mem>>)
    %add3A_8 = arith.constant 16384 : i32
    %add3A_9 = arith.addi %add3A_8, %mul3A_2 : i32
    %dma_start3A_10 = arith.constant 512 : i32
    %dma_start3A_11 = tpu.memref_slice %arg6[%dma_start3A_10] : memref<1536xi32, #tpu.memory_space<vmem>> -> memref<512xi32, #tpu.memory_space<vmem>>
    %dma_start3A_12 = tpu.memref_slice %arg2[%add3A_9] : memref<49152xi32, #tpu.memory_space<hbm>> -> memref<512xi32, #tpu.memory_space<hbm>>
    %dma_start3A_13 = arith.constant 512 : i32
    %dma_start3A_14 = tpu.memref_slice %arg6[%dma_start3A_13] : memref<1536xi32, #tpu.memory_space<vmem>> -> memref<512xi32, #tpu.memory_space<vmem>>
    %dma_start3A_15 = tpu.memref_slice %arg2[%add3A_9] : memref<49152xi32, #tpu.memory_space<hbm>> -> memref<512xi32, #tpu.memory_space<hbm>>
    tpu.enqueue_dma source(%dma_start3A_15 : memref<512xi32, #tpu.memory_space<hbm>>) target(%dma_start3A_14 : memref<512xi32, #tpu.memory_space<vmem>>) target_semaphore(%arg11 : memref<!tpu.dma_semaphore, #tpu.memory_space<semaphore_mem>>)
    %add3A_16 = arith.constant 32768 : i32
    %add3A_17 = arith.addi %add3A_16, %mul3A_2 : i32
    %dma_start3A_18 = arith.constant 1024 : i32
    %dma_start3A_19 = tpu.memref_slice %arg6[%dma_start3A_18] : memref<1536xi32, #tpu.memory_space<vmem>> -> memref<512xi32, #tpu.memory_space<vmem>>
    %dma_start3A_20 = tpu.memref_slice %arg2[%add3A_17] : memref<49152xi32, #tpu.memory_space<hbm>> -> memref<512xi32, #tpu.memory_space<hbm>>
    %dma_start3A_21 = arith.constant 1024 : i32
    %dma_start3A_22 = tpu.memref_slice %arg6[%dma_start3A_21] : memref<1536xi32, #tpu.memory_space<vmem>> -> memref<512xi32, #tpu.memory_space<vmem>>
    %dma_start3A_23 = tpu.memref_slice %arg2[%add3A_17] : memref<49152xi32, #tpu.memory_space<hbm>> -> memref<512xi32, #tpu.memory_space<hbm>>
    tpu.enqueue_dma source(%dma_start3A_23 : memref<512xi32, #tpu.memory_space<hbm>>) target(%dma_start3A_22 : memref<512xi32, #tpu.memory_space<vmem>>) target_semaphore(%arg11 : memref<!tpu.dma_semaphore, #tpu.memory_space<semaphore_mem>>)
    %dma_wait3A = arith.constant 0 : i32
    %dma_wait3A_24 = tpu.memref_slice %arg6[%dma_wait3A] : memref<1536xi32, #tpu.memory_space<vmem>> -> memref<512xi32, #tpu.memory_space<vmem>>
    %dma_wait3A_25 = tpu.memref_slice %arg2[%mul3A_2] : memref<49152xi32, #tpu.memory_space<hbm>> -> memref<512xi32, #tpu.memory_space<hbm>>
    %dma_wait3A_26 = arith.constant 0 : i32
    %dma_wait3A_27 = tpu.memref_slice %arg6[%dma_wait3A_26] : memref<1536xi32, #tpu.memory_space<vmem>> -> memref<512xi32, #tpu.memory_space<vmem>>
    %dma_wait3A_28 = tpu.memref_slice %arg2[%mul3A_2] : memref<49152xi32, #tpu.memory_space<hbm>> -> memref<512xi32, #tpu.memory_space<hbm>>
    tpu.wait_dma2 semaphore(%arg11 : memref<!tpu.dma_semaphore, #tpu.memory_space<semaphore_mem>>) src(%dma_wait3A_28 : memref<512xi32, #tpu.memory_space<hbm>>) dst(%dma_wait3A_27 : memref<512xi32, #tpu.memory_space<vmem>>)
    %dma_wait3A_29 = arith.constant 512 : i32
    %dma_wait3A_30 = tpu.memref_slice %arg6[%dma_wait3A_29] : memref<1536xi32, #tpu.memory_space<vmem>> -> memref<512xi32, #tpu.memory_space<vmem>>
    %dma_wait3A_31 = tpu.memref_slice %arg2[%add3A_9] : memref<49152xi32, #tpu.memory_space<hbm>> -> memref<512xi32, #tpu.memory_space<hbm>>
    %dma_wait3A_32 = arith.constant 512 : i32
    %dma_wait3A_33 = tpu.memref_slice %arg6[%dma_wait3A_32] : memref<1536xi32, #tpu.memory_space<vmem>> -> memref<512xi32, #tpu.memory_space<vmem>>
    %dma_wait3A_34 = tpu.memref_slice %arg2[%add3A_9] : memref<49152xi32, #tpu.memory_space<hbm>> -> memref<512xi32, #tpu.memory_space<hbm>>
    tpu.wait_dma2 semaphore(%arg11 : memref<!tpu.dma_semaphore, #tpu.memory_space<semaphore_mem>>) src(%dma_wait3A_34 : memref<512xi32, #tpu.memory_space<hbm>>) dst(%dma_wait3A_33 : memref<512xi32, #tpu.memory_space<vmem>>)
    %dma_wait3A_35 = arith.constant 1024 : i32
    %dma_wait3A_36 = tpu.memref_slice %arg6[%dma_wait3A_35] : memref<1536xi32, #tpu.memory_space<vmem>> -> memref<512xi32, #tpu.memory_space<vmem>>
    %dma_wait3A_37 = tpu.memref_slice %arg2[%add3A_17] : memref<49152xi32, #tpu.memory_space<hbm>> -> memref<512xi32, #tpu.memory_space<hbm>>
    %dma_wait3A_38 = arith.constant 1024 : i32
    %dma_wait3A_39 = tpu.memref_slice %arg6[%dma_wait3A_38] : memref<1536xi32, #tpu.memory_space<vmem>> -> memref<512xi32, #tpu.memory_space<vmem>>
    %dma_wait3A_40 = tpu.memref_slice %arg2[%add3A_17] : memref<49152xi32, #tpu.memory_space<hbm>> -> memref<512xi32, #tpu.memory_space<hbm>>
    tpu.wait_dma2 semaphore(%arg11 : memref<!tpu.dma_semaphore, #tpu.memory_space<semaphore_mem>>) src(%dma_wait3A_40 : memref<512xi32, #tpu.memory_space<hbm>>) dst(%dma_wait3A_39 : memref<512xi32, #tpu.memory_space<vmem>>)
    %iota3A = tpu.iota {dimensions = array<i32: 0>} : vector<16xi32>
    %broadcast_in_dim3A = arith.constant 16 : i32
    %broadcast_in_dim3A_41 = vector.broadcast %broadcast_in_dim3A : i32 to vector<16xi32>
    %add3A_42 = arith.constant 1 : i32
    %add3A_43 = vector.broadcast %add3A_42 : i32 to vector<16xi32>
    %add3A_44 = arith.addi %iota3A, %add3A_43 : vector<16xi32>
    %rem3A = arith.remsi %add3A_44, %broadcast_in_dim3A_41 : vector<16xi32>
    %add3A_45 = arith.constant 2 : i32
    %add3A_46 = vector.broadcast %add3A_45 : i32 to vector<16xi32>
    %add3A_47 = arith.addi %iota3A, %add3A_46 : vector<16xi32>
    %rem3A_48 = arith.remsi %add3A_47, %broadcast_in_dim3A_41 : vector<16xi32>
    %add3A_49 = arith.constant 4 : i32
    %add3A_50 = vector.broadcast %add3A_49 : i32 to vector<16xi32>
    %add3A_51 = arith.addi %iota3A, %add3A_50 : vector<16xi32>
    %rem3A_52 = arith.remsi %add3A_51, %broadcast_in_dim3A_41 : vector<16xi32>
    %add3A_53 = arith.constant 8 : i32
    %add3A_54 = vector.broadcast %add3A_53 : i32 to vector<16xi32>
    %add3A_55 = arith.addi %iota3A, %add3A_54 : vector<16xi32>
    %rem3A_56 = arith.remsi %add3A_55, %broadcast_in_dim3A_41 : vector<16xi32>
    %rem3A_57 = arith.constant 0 : i32
    %rem3A_58 = arith.constant 2 : i32
    %rem3A_59 = arith.remsi %rem3A_57, %rem3A_58 : i32
    %mul3A_60 = arith.constant 128 : i32
    %mul3A_61 = arith.muli %rem3A_59, %mul3A_60 : i32
    %dma_start3A_62 = arith.constant 0 : i32
    %dma_start3A_63 = tpu.memref_slice %arg7[%mul3A_61, %dma_start3A_62] : memref<256x128xf32, #tpu.memory_space<vmem>> -> memref<128x128xf32, #tpu.memory_space<vmem>>
    %dma_start3A_64 = arith.constant 0 : i32
    %dma_start3A_65 = tpu.memref_slice %arg6[%dma_start3A_64] : memref<1536xi32, #tpu.memory_space<vmem>> -> memref<128xi32, #tpu.memory_space<vmem>>
    %dma_start3A_66 = arith.constant 0 : i32
    %dma_start3A_67 = arith.constant 0 : i32
    %dma_start3A_68 = tpu.memref_slice %arg3[%dma_start3A_66, %dma_start3A_67] : memref<100000x128xf32, #tpu.memory_space<hbm>> -> memref<100000x128xf32, #tpu.memory_space<hbm>>
    tpu.enqueue_indirect_dma source(%dma_start3A_68 : memref<100000x128xf32, #tpu.memory_space<hbm>>) target(%dma_start3A_63 : memref<128x128xf32, #tpu.memory_space<vmem>>) offsets(%dma_start3A_65 : memref<128xi32, #tpu.memory_space<vmem>>) semaphore(%arg12 : memref<!tpu.dma_semaphore, #tpu.memory_space<semaphore_mem>>)
    %dma_start3A_69 = arith.constant 0 : i32
    %dma_start3A_70 = tpu.memref_slice %arg8[%mul3A_61, %dma_start3A_69] : memref<256x128xf32, #tpu.memory_space<vmem>> -> memref<128x128xf32, #tpu.memory_space<vmem>>
    %dma_start3A_71 = arith.constant 512 : i32
    %dma_start3A_72 = tpu.memref_slice %arg6[%dma_start3A_71] : memref<1536xi32, #tpu.memory_space<vmem>> -> memref<128xi32, #tpu.memory_space<vmem>>
    %dma_start3A_73 = arith.constant 0 : i32
    %dma_start3A_74 = arith.constant 0 : i32
    %dma_start3A_75 = tpu.memref_slice %arg4[%dma_start3A_73, %dma_start3A_74] : memref<1000x128xf32, #tpu.memory_space<hbm>> -> memref<1000x128xf32, #tpu.memory_space<hbm>>
    tpu.enqueue_indirect_dma source(%dma_start3A_75 : memref<1000x128xf32, #tpu.memory_space<hbm>>) target(%dma_start3A_70 : memref<128x128xf32, #tpu.memory_space<vmem>>) offsets(%dma_start3A_72 : memref<128xi32, #tpu.memory_space<vmem>>) semaphore(%arg12 : memref<!tpu.dma_semaphore, #tpu.memory_space<semaphore_mem>>)
    %dma_start3A_76 = arith.constant 0 : i32
    %dma_start3A_77 = tpu.memref_slice %arg9[%mul3A_61, %dma_start3A_76] : memref<256x128xf32, #tpu.memory_space<vmem>> -> memref<128x128xf32, #tpu.memory_space<vmem>>
    %dma_start3A_78 = arith.constant 1024 : i32
    %dma_start3A_79 = tpu.memref_slice %arg6[%dma_start3A_78] : memref<1536xi32, #tpu.memory_space<vmem>> -> memref<128xi32, #tpu.memory_space<vmem>>
    %dma_start3A_80 = arith.constant 0 : i32
    %dma_start3A_81 = arith.constant 0 : i32
    %dma_start3A_82 = tpu.memref_slice %arg3[%dma_start3A_80, %dma_start3A_81] : memref<100000x128xf32, #tpu.memory_space<hbm>> -> memref<100000x128xf32, #tpu.memory_space<hbm>>
    tpu.enqueue_indirect_dma source(%dma_start3A_82 : memref<100000x128xf32, #tpu.memory_space<hbm>>) target(%dma_start3A_77 : memref<128x128xf32, #tpu.memory_space<vmem>>) offsets(%dma_start3A_79 : memref<128xi32, #tpu.memory_space<vmem>>) semaphore(%arg12 : memref<!tpu.dma_semaphore, #tpu.memory_space<semaphore_mem>>)
    %scan3A = arith.constant 0 : i32
    %scan3A_83 = arith.constant 0 : i32
    %scan3A_84 = arith.constant 4 : i32
    %scan3A_85 = arith.addi %scan3A_83, %scan3A_84 : i32
    %scan3A_86 = arith.constant 1 : i32
    %scan3A_87 = scf.for %scan3A_89 = %scan3A_83 to %scan3A_85 step %scan3A_86 iter_args(%scan3A_90 = %scan3A) -> (i32)  : i32 {
      %rem3A_91 = arith.constant 2 : i32
      %rem3A_92 = arith.remsi %scan3A_89, %rem3A_91 : i32
      %mul3A_93 = arith.constant 128 : i32
      %mul3A_94 = arith.muli %rem3A_92, %mul3A_93 : i32
      %dma_wait3A_95 = arith.constant 0 : i32
      %dma_wait3A_96 = tpu.memref_slice %arg7[%mul3A_94, %dma_wait3A_95] : memref<256x128xf32, #tpu.memory_space<vmem>> -> memref<128x128xf32, #tpu.memory_space<vmem>>
      %dma_wait3A_97 = arith.constant 0 : i32
      %dma_wait3A_98 = tpu.memref_slice %arg6[%dma_wait3A_97] : memref<1536xi32, #tpu.memory_space<vmem>> -> memref<128xi32, #tpu.memory_space<vmem>>
      %dma_wait3A_99 = arith.constant 0 : i32
      %dma_wait3A_100 = arith.constant 0 : i32
      %dma_wait3A_101 = tpu.memref_slice %arg3[%dma_wait3A_99, %dma_wait3A_100] : memref<100000x128xf32, #tpu.memory_space<hbm>> -> memref<100000x128xf32, #tpu.memory_space<hbm>>
      tpu.wait_indirect_dma semaphore(%arg12 : memref<!tpu.dma_semaphore, #tpu.memory_space<semaphore_mem>>) src(%dma_wait3A_101 : memref<100000x128xf32, #tpu.memory_space<hbm>>) dst(%dma_wait3A_96 : memref<128x128xf32, #tpu.memory_space<vmem>>)
      %dma_wait3A_102 = arith.constant 0 : i32
      %dma_wait3A_103 = tpu.memref_slice %arg8[%mul3A_94, %dma_wait3A_102] : memref<256x128xf32, #tpu.memory_space<vmem>> -> memref<128x128xf32, #tpu.memory_space<vmem>>
      %dma_wait3A_104 = arith.constant 0 : i32
      %dma_wait3A_105 = tpu.memref_slice %arg6[%dma_wait3A_104] : memref<1536xi32, #tpu.memory_space<vmem>> -> memref<128xi32, #tpu.memory_space<vmem>>
      %dma_wait3A_106 = arith.constant 0 : i32
      %dma_wait3A_107 = arith.constant 0 : i32
      %dma_wait3A_108 = tpu.memref_slice %arg3[%dma_wait3A_106, %dma_wait3A_107] : memref<100000x128xf32, #tpu.memory_space<hbm>> -> memref<100000x128xf32, #tpu.memory_space<hbm>>
      tpu.wait_indirect_dma semaphore(%arg12 : memref<!tpu.dma_semaphore, #tpu.memory_space<semaphore_mem>>) src(%dma_wait3A_108 : memref<100000x128xf32, #tpu.memory_space<hbm>>) dst(%dma_wait3A_103 : memref<128x128xf32, #tpu.memory_space<vmem>>)
      %dma_wait3A_109 = arith.constant 0 : i32
      %dma_wait3A_110 = tpu.memref_slice %arg9[%mul3A_94, %dma_wait3A_109] : memref<256x128xf32, #tpu.memory_space<vmem>> -> memref<128x128xf32, #tpu.memory_space<vmem>>
      %dma_wait3A_111 = arith.constant 0 : i32
      %dma_wait3A_112 = tpu.memref_slice %arg6[%dma_wait3A_111] : memref<1536xi32, #tpu.memory_space<vmem>> -> memref<128xi32, #tpu.memory_space<vmem>>
      %dma_wait3A_113 = arith.constant 0 : i32
      %dma_wait3A_114 = arith.constant 0 : i32
      %dma_wait3A_115 = tpu.memref_slice %arg3[%dma_wait3A_113, %dma_wait3A_114] : memref<100000x128xf32, #tpu.memory_space<hbm>> -> memref<100000x128xf32, #tpu.memory_space<hbm>>
      tpu.wait_indirect_dma semaphore(%arg12 : memref<!tpu.dma_semaphore, #tpu.memory_space<semaphore_mem>>) src(%dma_wait3A_115 : memref<100000x128xf32, #tpu.memory_space<hbm>>) dst(%dma_wait3A_110 : memref<128x128xf32, #tpu.memory_space<vmem>>)
      %add3A_116 = arith.constant 1 : i32
      %add3A_117 = arith.addi %scan3A_89, %add3A_116 : i32
      %lt3A = arith.constant 4 : i32
      %lt3A_118 = arith.cmpi slt, %add3A_117, %lt3A : i32
      %convert_element_type3A = arith.extui %lt3A_118 : i1 to i32
      %cond3A = arith.constant 0 : i32
      %cond3A_119 = arith.cmpi ne, %convert_element_type3A, %cond3A : i32
      scf.if %cond3A_119 {
        %add3A_128 = arith.constant 1 : i32
        %add3A_129 = arith.addi %scan3A_89, %add3A_128 : i32
        %rem3A_130 = arith.constant 2 : i32
        %rem3A_131 = arith.remsi %add3A_129, %rem3A_130 : i32
        %mul3A_132 = arith.constant 128 : i32
        %mul3A_133 = arith.muli %rem3A_131, %mul3A_132 : i32
        %mul3A_134 = arith.constant 128 : i32
        %mul3A_135 = arith.muli %add3A_129, %mul3A_134 : i32
        %dma_start3A_136 = arith.constant 0 : i32
        %dma_start3A_137 = tpu.memref_slice %arg7[%mul3A_133, %dma_start3A_136] : memref<256x128xf32, #tpu.memory_space<vmem>> -> memref<128x128xf32, #tpu.memory_space<vmem>>
        %dma_start3A_138 = tpu.memref_slice %arg6[%mul3A_135] : memref<1536xi32, #tpu.memory_space<vmem>> -> memref<128xi32, #tpu.memory_space<vmem>>
        %dma_start3A_139 = arith.constant 0 : i32
        %dma_start3A_140 = arith.constant 0 : i32
        %dma_start3A_141 = tpu.memref_slice %arg3[%dma_start3A_139, %dma_start3A_140] : memref<100000x128xf32, #tpu.memory_space<hbm>> -> memref<100000x128xf32, #tpu.memory_space<hbm>>
        tpu.enqueue_indirect_dma source(%dma_start3A_141 : memref<100000x128xf32, #tpu.memory_space<hbm>>) target(%dma_start3A_137 : memref<128x128xf32, #tpu.memory_space<vmem>>) offsets(%dma_start3A_138 : memref<128xi32, #tpu.memory_space<vmem>>) semaphore(%arg12 : memref<!tpu.dma_semaphore, #tpu.memory_space<semaphore_mem>>)
        %mul3A_142 = arith.constant 128 : i32
        %mul3A_143 = arith.muli %add3A_129, %mul3A_142 : i32
        %add3A_144 = arith.constant 512 : i32
        %add3A_145 = arith.addi %add3A_144, %mul3A_143 : i32
        %dma_start3A_146 = arith.constant 0 : i32
        %dma_start3A_147 = tpu.memref_slice %arg8[%mul3A_133, %dma_start3A_146] : memref<256x128xf32, #tpu.memory_space<vmem>> -> memref<128x128xf32, #tpu.memory_space<vmem>>
        %dma_start3A_148 = tpu.memref_slice %arg6[%add3A_145] : memref<1536xi32, #tpu.memory_space<vmem>> -> memref<128xi32, #tpu.memory_space<vmem>>
        %dma_start3A_149 = arith.constant 0 : i32
        %dma_start3A_150 = arith.constant 0 : i32
        %dma_start3A_151 = tpu.memref_slice %arg4[%dma_start3A_149, %dma_start3A_150] : memref<1000x128xf32, #tpu.memory_space<hbm>> -> memref<1000x128xf32, #tpu.memory_space<hbm>>
        tpu.enqueue_indirect_dma source(%dma_start3A_151 : memref<1000x128xf32, #tpu.memory_space<hbm>>) target(%dma_start3A_147 : memref<128x128xf32, #tpu.memory_space<vmem>>) offsets(%dma_start3A_148 : memref<128xi32, #tpu.memory_space<vmem>>) semaphore(%arg12 : memref<!tpu.dma_semaphore, #tpu.memory_space<semaphore_mem>>)
        %mul3A_152 = arith.constant 128 : i32
        %mul3A_153 = arith.muli %add3A_129, %mul3A_152 : i32
        %add3A_154 = arith.constant 1024 : i32
        %add3A_155 = arith.addi %add3A_154, %mul3A_153 : i32
        %dma_start3A_156 = arith.constant 0 : i32
        %dma_start3A_157 = tpu.memref_slice %arg9[%mul3A_133, %dma_start3A_156] : memref<256x128xf32, #tpu.memory_space<vmem>> -> memref<128x128xf32, #tpu.memory_space<vmem>>
        %dma_start3A_158 = tpu.memref_slice %arg6[%add3A_155] : memref<1536xi32, #tpu.memory_space<vmem>> -> memref<128xi32, #tpu.memory_space<vmem>>
        %dma_start3A_159 = arith.constant 0 : i32
        %dma_start3A_160 = arith.constant 0 : i32
        %dma_start3A_161 = tpu.memref_slice %arg3[%dma_start3A_159, %dma_start3A_160] : memref<100000x128xf32, #tpu.memory_space<hbm>> -> memref<100000x128xf32, #tpu.memory_space<hbm>>
        tpu.enqueue_indirect_dma source(%dma_start3A_161 : memref<100000x128xf32, #tpu.memory_space<hbm>>) target(%dma_start3A_157 : memref<128x128xf32, #tpu.memory_space<vmem>>) offsets(%dma_start3A_158 : memref<128xi32, #tpu.memory_space<vmem>>) semaphore(%arg12 : memref<!tpu.dma_semaphore, #tpu.memory_space<semaphore_mem>>)
      } else {
      }
      %scan3A_120 = arith.constant 0 : i32
      %scan3A_121 = arith.constant 0 : i32
      %scan3A_122 = arith.constant 8 : i32
      %scan3A_123 = arith.addi %scan3A_121, %scan3A_122 : i32
      %scan3A_124 = arith.constant 1 : i32
      %scan3A_125 = scf.for %scan3A_128 = %scan3A_121 to %scan3A_123 step %scan3A_124 iter_args(%scan3A_129 = %scan3A_120) -> (i32)  : i32 {
        %broadcast_in_dim3A_130 = arith.constant 0.000000e+00 : f32
        %broadcast_in_dim3A_131 = vector.broadcast %broadcast_in_dim3A_130 : f32 to vector<16xf32>
        %scan3A_132 = arith.constant 0 : i32
        %scan3A_133 = arith.constant 16 : i32
        %scan3A_134 = arith.addi %scan3A_132, %scan3A_133 : i32
        %scan3A_135 = arith.constant 1 : i32
        %scan3A_136 = scf.for %scan3A_145 = %scan3A_132 to %scan3A_134 step %scan3A_135 iter_args(%scan3A_146 = %broadcast_in_dim3A_131) -> (vector<16xf32>)  : i32 {
          %mul3A_147 = arith.constant 16 : i32
          %mul3A_148 = arith.muli %scan3A_128, %mul3A_147 : i32
          %add3A_149 = arith.addi %mul3A_94, %mul3A_148 : i32
          %add3A_150 = arith.addi %add3A_149, %scan3A_145 : i32
          %broadcast_in_dim3A_151 = arith.constant 0.000000e+00 : f32
          %broadcast_in_dim3A_152 = vector.broadcast %broadcast_in_dim3A_151 : f32 to vector<16xf32>
          %get3A = arith.index_cast %add3A_150 : i32 to index
          %get3A_153 = arith.constant 0 : index
          %get3A_154 = tpu.vector_load %arg7[%get3A, %get3A_153] {strides = array<i32>} : memref<256x128xf32, #tpu.memory_space<vmem>>, vector<16xf32>,
          %get3A_155 = arith.index_cast %add3A_150 : i32 to index
          %get3A_156 = arith.constant 64 : index
          %get3A_157 = tpu.vector_load %arg7[%get3A_155, %get3A_156] {strides = array<i32>} : memref<256x128xf32, #tpu.memory_space<vmem>>, vector<16xf32>,
          %get3A_158 = arith.index_cast %add3A_150 : i32 to index
          %get3A_159 = arith.constant 0 : index
          %get3A_160 = tpu.vector_load %arg8[%get3A_158, %get3A_159] {strides = array<i32>} : memref<256x128xf32, #tpu.memory_space<vmem>>, vector<16xf32>,
          %get3A_161 = arith.index_cast %add3A_150 : i32 to index
          %get3A_162 = arith.constant 64 : index
          %get3A_163 = tpu.vector_load %arg8[%get3A_161, %get3A_162] {strides = array<i32>} : memref<256x128xf32, #tpu.memory_space<vmem>>, vector<16xf32>,
          %get3A_164 = arith.index_cast %add3A_150 : i32 to index
          %get3A_165 = arith.constant 0 : index
          %get3A_166 = tpu.vector_load %arg9[%get3A_164, %get3A_165] {strides = array<i32>} : memref<256x128xf32, #tpu.memory_space<vmem>>, vector<16xf32>,
          %get3A_167 = arith.index_cast %add3A_150 : i32 to index
          %get3A_168 = arith.constant 64 : index
          %get3A_169 = tpu.vector_load %arg9[%get3A_167, %get3A_168] {strides = array<i32>} : memref<256x128xf32, #tpu.memory_space<vmem>>, vector<16xf32>,
          %mul3A_170 = arith.mulf %get3A_160, %get3A_166 : vector<16xf32>
          %mul3A_171 = arith.mulf %get3A_163, %get3A_169 : vector<16xf32>
          %add3A_172 = arith.addf %mul3A_170, %mul3A_171 : vector<16xf32>
          %mul3A_173 = arith.mulf %get3A_160, %get3A_169 : vector<16xf32>
          %mul3A_174 = arith.mulf %get3A_163, %get3A_166 : vector<16xf32>
          %sub3A = arith.subf %mul3A_173, %mul3A_174 : vector<16xf32>
          %mul3A_175 = arith.mulf %get3A_154, %add3A_172 : vector<16xf32>
          %add3A_176 = arith.addf %broadcast_in_dim3A_152, %mul3A_175 : vector<16xf32>
          %mul3A_177 = arith.mulf %get3A_157, %sub3A : vector<16xf32>
          %add3A_178 = arith.addf %add3A_176, %mul3A_177 : vector<16xf32>
          %get3A_179 = arith.index_cast %add3A_150 : i32 to index
          %get3A_180 = arith.constant 16 : index
          %get3A_181 = tpu.vector_load %arg7[%get3A_179, %get3A_180] {strides = array<i32>} : memref<256x128xf32, #tpu.memory_space<vmem>>, vector<16xf32>,
          %get3A_182 = arith.index_cast %add3A_150 : i32 to index
          %get3A_183 = arith.constant 80 : index
          %get3A_184 = tpu.vector_load %arg7[%get3A_182, %get3A_183] {strides = array<i32>} : memref<256x128xf32, #tpu.memory_space<vmem>>, vector<16xf32>,
          %get3A_185 = arith.index_cast %add3A_150 : i32 to index
          %get3A_186 = arith.constant 16 : index
          %get3A_187 = tpu.vector_load %arg8[%get3A_185, %get3A_186] {strides = array<i32>} : memref<256x128xf32, #tpu.memory_space<vmem>>, vector<16xf32>,
          %get3A_188 = arith.index_cast %add3A_150 : i32 to index
          %get3A_189 = arith.constant 80 : index
          %get3A_190 = tpu.vector_load %arg8[%get3A_188, %get3A_189] {strides = array<i32>} : memref<256x128xf32, #tpu.memory_space<vmem>>, vector<16xf32>,
          %get3A_191 = arith.index_cast %add3A_150 : i32 to index
          %get3A_192 = arith.constant 16 : index
          %get3A_193 = tpu.vector_load %arg9[%get3A_191, %get3A_192] {strides = array<i32>} : memref<256x128xf32, #tpu.memory_space<vmem>>, vector<16xf32>,
          %get3A_194 = arith.index_cast %add3A_150 : i32 to index
          %get3A_195 = arith.constant 80 : index
          %get3A_196 = tpu.vector_load %arg9[%get3A_194, %get3A_195] {strides = array<i32>} : memref<256x128xf32, #tpu.memory_space<vmem>>, vector<16xf32>,
          %mul3A_197 = arith.mulf %get3A_187, %get3A_193 : vector<16xf32>
          %mul3A_198 = arith.mulf %get3A_190, %get3A_196 : vector<16xf32>
          %add3A_199 = arith.addf %mul3A_197, %mul3A_198 : vector<16xf32>
          %mul3A_200 = arith.mulf %get3A_187, %get3A_196 : vector<16xf32>
          %mul3A_201 = arith.mulf %get3A_190, %get3A_193 : vector<16xf32>
          %sub3A_202 = arith.subf %mul3A_200, %mul3A_201 : vector<16xf32>
          %mul3A_203 = arith.mulf %get3A_181, %add3A_199 : vector<16xf32>
          %add3A_204 = arith.addf %add3A_178, %mul3A_203 : vector<16xf32>
          %mul3A_205 = arith.mulf %get3A_184, %sub3A_202 : vector<16xf32>
          %add3A_206 = arith.addf %add3A_204, %mul3A_205 : vector<16xf32>
          %get3A_207 = arith.index_cast %add3A_150 : i32 to index
          %get3A_208 = arith.constant 32 : index
          %get3A_209 = tpu.vector_load %arg7[%get3A_207, %get3A_208] {strides = array<i32>} : memref<256x128xf32, #tpu.memory_space<vmem>>, vector<16xf32>,
          %get3A_210 = arith.index_cast %add3A_150 : i32 to index
          %get3A_211 = arith.constant 96 : index
          %get3A_212 = tpu.vector_load %arg7[%get3A_210, %get3A_211] {strides = array<i32>} : memref<256x128xf32, #tpu.memory_space<vmem>>, vector<16xf32>,
          %get3A_213 = arith.index_cast %add3A_150 : i32 to index
          %get3A_214 = arith.constant 32 : index
          %get3A_215 = tpu.vector_load %arg8[%get3A_213, %get3A_214] {strides = array<i32>} : memref<256x128xf32, #tpu.memory_space<vmem>>, vector<16xf32>,
          %get3A_216 = arith.index_cast %add3A_150 : i32 to index
          %get3A_217 = arith.constant 96 : index
          %get3A_218 = tpu.vector_load %arg8[%get3A_216, %get3A_217] {strides = array<i32>} : memref<256x128xf32, #tpu.memory_space<vmem>>, vector<16xf32>,
          %get3A_219 = arith.index_cast %add3A_150 : i32 to index
          %get3A_220 = arith.constant 32 : index
          %get3A_221 = tpu.vector_load %arg9[%get3A_219, %get3A_220] {strides = array<i32>} : memref<256x128xf32, #tpu.memory_space<vmem>>, vector<16xf32>,
          %get3A_222 = arith.index_cast %add3A_150 : i32 to index
          %get3A_223 = arith.constant 96 : index
          %get3A_224 = tpu.vector_load %arg9[%get3A_222, %get3A_223] {strides = array<i32>} : memref<256x128xf32, #tpu.memory_space<vmem>>, vector<16xf32>,
          %mul3A_225 = arith.mulf %get3A_215, %get3A_221 : vector<16xf32>
          %mul3A_226 = arith.mulf %get3A_218, %get3A_224 : vector<16xf32>
          %add3A_227 = arith.addf %mul3A_225, %mul3A_226 : vector<16xf32>
          %mul3A_228 = arith.mulf %get3A_215, %get3A_224 : vector<16xf32>
          %mul3A_229 = arith.mulf %get3A_218, %get3A_221 : vector<16xf32>
          %sub3A_230 = arith.subf %mul3A_228, %mul3A_229 : vector<16xf32>
          %mul3A_231 = arith.mulf %get3A_209, %add3A_227 : vector<16xf32>
          %add3A_232 = arith.addf %add3A_206, %mul3A_231 : vector<16xf32>
          %mul3A_233 = arith.mulf %get3A_212, %sub3A_230 : vector<16xf32>
          %add3A_234 = arith.addf %add3A_232, %mul3A_233 : vector<16xf32>
          %get3A_235 = arith.index_cast %add3A_150 : i32 to index
          %get3A_236 = arith.constant 48 : index
          %get3A_237 = tpu.vector_load %arg7[%get3A_235, %get3A_236] {strides = array<i32>} : memref<256x128xf32, #tpu.memory_space<vmem>>, vector<16xf32>,
          %get3A_238 = arith.index_cast %add3A_150 : i32 to index
          %get3A_239 = arith.constant 112 : index
          %get3A_240 = tpu.vector_load %arg7[%get3A_238, %get3A_239] {strides = array<i32>} : memref<256x128xf32, #tpu.memory_space<vmem>>, vector<16xf32>,
          %get3A_241 = arith.index_cast %add3A_150 : i32 to index
          %get3A_242 = arith.constant 48 : index
          %get3A_243 = tpu.vector_load %arg8[%get3A_241, %get3A_242] {strides = array<i32>} : memref<256x128xf32, #tpu.memory_space<vmem>>, vector<16xf32>,
          %get3A_244 = arith.index_cast %add3A_150 : i32 to index
          %get3A_245 = arith.constant 112 : index
          %get3A_246 = tpu.vector_load %arg8[%get3A_244, %get3A_245] {strides = array<i32>} : memref<256x128xf32, #tpu.memory_space<vmem>>, vector<16xf32>,
          %get3A_247 = arith.index_cast %add3A_150 : i32 to index
          %get3A_248 = arith.constant 48 : index
          %get3A_249 = tpu.vector_load %arg9[%get3A_247, %get3A_248] {strides = array<i32>} : memref<256x128xf32, #tpu.memory_space<vmem>>, vector<16xf32>,
          %get3A_250 = arith.index_cast %add3A_150 : i32 to index
          %get3A_251 = arith.constant 112 : index
          %get3A_252 = tpu.vector_load %arg9[%get3A_250, %get3A_251] {strides = array<i32>} : memref<256x128xf32, #tpu.memory_space<vmem>>, vector<16xf32>,
          %mul3A_253 = arith.mulf %get3A_243, %get3A_249 : vector<16xf32>
          %mul3A_254 = arith.mulf %get3A_246, %get3A_252 : vector<16xf32>
          %add3A_255 = arith.addf %mul3A_253, %mul3A_254 : vector<16xf32>
          %mul3A_256 = arith.mulf %get3A_243, %get3A_252 : vector<16xf32>
          %mul3A_257 = arith.mulf %get3A_246, %get3A_249 : vector<16xf32>
          %sub3A_258 = arith.subf %mul3A_256, %mul3A_257 : vector<16xf32>
          %mul3A_259 = arith.mulf %get3A_237, %add3A_255 : vector<16xf32>
          %add3A_260 = arith.addf %add3A_234, %mul3A_259 : vector<16xf32>
          %mul3A_261 = arith.mulf %get3A_240, %sub3A_258 : vector<16xf32>
          %add3A_262 = arith.addf %add3A_260, %mul3A_261 : vector<16xf32>
          %lt3A_263 = arith.constant 0 : i32
          %lt3A_264 = vector.broadcast %lt3A_263 : i32 to vector<16xi32>
          %lt3A_265 = arith.cmpi slt, %rem3A, %lt3A_264 : vector<16xi32>
          %add3A_266 = arith.constant 16 : i32
          %add3A_267 = vector.broadcast %add3A_266 : i32 to vector<16xi32>
          %add3A_268 = arith.addi %rem3A, %add3A_267 : vector<16xi32>
          %select_n3A = arith.select %lt3A_265, %add3A_268, %rem3A : vector<16xi1>, vector<16xi32>
          %broadcast_in_dim3A_269 = vector.shape_cast %select_n3A : vector<16xi32> to vector<16x1xi32>
          %gather3A = vector.shape_cast %broadcast_in_dim3A_269 : vector<16x1xi32> to vector<16xi32>
          %gather3A_270 = tpu.dynamic_gather %add3A_262[%gather3A] in [0] : vector<16xf32>, vector<16xi32> -> vector<16xf32>
          %add3A_271 = arith.addf %add3A_262, %gather3A_270 : vector<16xf32>
          %lt3A_272 = arith.constant 0 : i32
          %lt3A_273 = vector.broadcast %lt3A_272 : i32 to vector<16xi32>
          %lt3A_274 = arith.cmpi slt, %rem3A_48, %lt3A_273 : vector<16xi32>
          %add3A_275 = arith.constant 16 : i32
          %add3A_276 = vector.broadcast %add3A_275 : i32 to vector<16xi32>
          %add3A_277 = arith.addi %rem3A_48, %add3A_276 : vector<16xi32>
          %select_n3A_278 = arith.select %lt3A_274, %add3A_277, %rem3A_48 : vector<16xi1>, vector<16xi32>
          %broadcast_in_dim3A_279 = vector.shape_cast %select_n3A_278 : vector<16xi32> to vector<16x1xi32>
          %gather3A_280 = vector.shape_cast %broadcast_in_dim3A_279 : vector<16x1xi32> to vector<16xi32>
          %gather3A_281 = tpu.dynamic_gather %add3A_271[%gather3A_280] in [0] : vector<16xf32>, vector<16xi32> -> vector<16xf32>
          %add3A_282 = arith.addf %add3A_271, %gather3A_281 : vector<16xf32>
          %lt3A_283 = arith.constant 0 : i32
          %lt3A_284 = vector.broadcast %lt3A_283 : i32 to vector<16xi32>
          %lt3A_285 = arith.cmpi slt, %rem3A_52, %lt3A_284 : vector<16xi32>
          %add3A_286 = arith.constant 16 : i32
          %add3A_287 = vector.broadcast %add3A_286 : i32 to vector<16xi32>
          %add3A_288 = arith.addi %rem3A_52, %add3A_287 : vector<16xi32>
          %select_n3A_289 = arith.select %lt3A_285, %add3A_288, %rem3A_52 : vector<16xi1>, vector<16xi32>
          %broadcast_in_dim3A_290 = vector.shape_cast %select_n3A_289 : vector<16xi32> to vector<16x1xi32>
          %gather3A_291 = vector.shape_cast %broadcast_in_dim3A_290 : vector<16x1xi32> to vector<16xi32>
          %gather3A_292 = tpu.dynamic_gather %add3A_282[%gather3A_291] in [0] : vector<16xf32>, vector<16xi32> -> vector<16xf32>
          %add3A_293 = arith.addf %add3A_282, %gather3A_292 : vector<16xf32>
          %lt3A_294 = arith.constant 0 : i32
          %lt3A_295 = vector.broadcast %lt3A_294 : i32 to vector<16xi32>
          %lt3A_296 = arith.cmpi slt, %rem3A_56, %lt3A_295 : vector<16xi32>
          %add3A_297 = arith.constant 16 : i32
          %add3A_298 = vector.broadcast %add3A_297 : i32 to vector<16xi32>
          %add3A_299 = arith.addi %rem3A_56, %add3A_298 : vector<16xi32>
          %select_n3A_300 = arith.select %lt3A_296, %add3A_299, %rem3A_56 : vector<16xi1>, vector<16xi32>
          %broadcast_in_dim3A_301 = vector.shape_cast %select_n3A_300 : vector<16xi32> to vector<16x1xi32>
          %gather3A_302 = vector.shape_cast %broadcast_in_dim3A_301 : vector<16x1xi32> to vector<16xi32>
          %gather3A_303 = tpu.dynamic_gather %add3A_293[%gather3A_302] in [0] : vector<16xf32>, vector<16xi32> -> vector<16xf32>
          %add3A_304 = arith.addf %add3A_293, %gather3A_303 : vector<16xf32>
          %eq3A = vector.broadcast %scan3A_145 : i32 to vector<16xi32>
          %eq3A_305 = arith.cmpi eq, %iota3A, %eq3A : vector<16xi32>
          %select_n3A_306 = arith.select %eq3A_305, %add3A_304, %scan3A_146 : vector<16xi1>, vector<16xf32>
          scf.yield %select_n3A_306 : vector<16xf32>
        }
        %scan3A_137 = arith.constant 16 : i32
        %mul3A_138 = arith.constant 128 : i32
        %mul3A_139 = arith.muli %scan3A_89, %mul3A_138 : i32
        %mul3A_140 = arith.constant 16 : i32
        %mul3A_141 = arith.muli %scan3A_128, %mul3A_140 : i32
        %add3A_142 = arith.addi %mul3A_139, %mul3A_141 : i32
        %swap3A = arith.index_cast %add3A_142 : i32 to index
        %swap3A_143 = tpu.vector_load %arg10[%swap3A] {strides = array<i32>} : memref<512xf32, #tpu.memory_space<vmem>>, vector<16xf32>,
        tpu.vector_store %arg10[%swap3A], %scan3A_136 {strides = array<i32>} : memref<512xf32, #tpu.memory_space<vmem>>, vector<16xf32>,
        %scan3A_144 = arith.constant 0 : i32
        scf.yield %scan3A_144 : i32
      }
      %scan3A_126 = arith.constant 8 : i32
      %scan3A_127 = arith.constant 0 : i32
      scf.yield %scan3A_127 : i32
    }
    %scan3A_88 = arith.constant 4 : i32
    "tpu.region"() ({
      %run_scoped3A = tpu.sem_alloc : memref<!tpu.dma_semaphore, #tpu.memory_space<semaphore_mem>>
      %dma_start3A_89 = tpu.memref_slice %arg5[%mul3A_2] : memref<16384xf32, #tpu.memory_space<hbm>> -> memref<512xf32, #tpu.memory_space<hbm>>
      %dma_start3A_90 = tpu.memref_slice %arg5[%mul3A_2] : memref<16384xf32, #tpu.memory_space<hbm>> -> memref<512xf32, #tpu.memory_space<hbm>>
      tpu.enqueue_dma source(%arg10 : memref<512xf32, #tpu.memory_space<vmem>>) target(%dma_start3A_90 : memref<512xf32, #tpu.memory_space<hbm>>) target_semaphore(%run_scoped3A : memref<!tpu.dma_semaphore, #tpu.memory_space<semaphore_mem>>)
      %dma_wait3A_91 = tpu.memref_slice %arg5[%mul3A_2] : memref<16384xf32, #tpu.memory_space<hbm>> -> memref<512xf32, #tpu.memory_space<hbm>>
      %dma_wait3A_92 = tpu.memref_slice %arg5[%mul3A_2] : memref<16384xf32, #tpu.memory_space<hbm>> -> memref<512xf32, #tpu.memory_space<hbm>>
      tpu.wait_dma2 semaphore(%run_scoped3A : memref<!tpu.dma_semaphore, #tpu.memory_space<semaphore_mem>>) src(%arg10 : memref<512xf32, #tpu.memory_space<vmem>>) dst(%dma_wait3A_92 : memref<512xf32, #tpu.memory_space<hbm>>)
      tpu.yield
    }) : () -> ()
    return
  }
}

</mosaic_0001>

<sc_bundles>
// kernel: kernel.3.cloned.1.call-start
scs
__scs_entry_jumppad:
0x0: {  	(pc) =	sbr.rel $0x88, $3  }
0x1: {  	(tag) =	ssettag $0x0;
	lr =	simm.s32 $0x1  }
0x2: {  	[smem:$0x3F9C] =	sst lr;
	_ =	strace $0xD0000000  }
0x3: {  	_ = 	snop  }
0x4: {  	_ = 	snop  }
0x5: {  	_ = 	snop  }
0x6: {  	_ = 	snop  }
0x7: {  	_ = 	snop  }
__scs_overlays_trampoline_lowered:
0x8: {  	[smem:$0x3FAB] =	sst s0  }
0x9: {  	[smem:$0x3FAC] =	sst s1  }
0xa: {  	[smem:$0x3FAD] =	sst s2  }
0xb: {  	[smem:$0x3FAE] =	sst s3  }
0xc: {  	[smem:$0x3FAF] =	sst s4  }
0xd: {  	[smem:$0x3FB0] =	sst s5  }
0xe: {  	[smem:$0x3FB1] =	sst s6  }
0xf: {  	[smem:$0x3FB2] =	sst s7  }
0x10: {  	[smem:$0x3FB3] =	sst s8  }
0x11: {  	[smem:$0x3FB4] =	sst s9;
	s0 =	simm.s32 @!p0 $0x0  }
0x12: {  	s1 =	sld [smem:$0x3F9A];
	s0 =	simm.s32 @p0 $0x1  }
0x13: {  	[smem:$0x3FB5] =	sst s0;
	s0 =	simm.s32 @!p1 $0x0  }
0x14: {  	s2 =	sld [smem:$0x3F99];
	s0 =	simm.s32 @p1 $0x1  }
0x15: {  	[smem:$0x3FB6] =	sst s0;
	s0 =	simm.s32 @!p2 $0x0  }
0x16: {  	s3 =	sld [smem:$0x3FDB];
	s0 =	simm.s32 @p2 $0x1  }
0x17: {  	s4 =	simm.s32 $0x1BF5;
	[smem:$0x3FB8] =	sst s0  }
0x18: {  	s0 =	sld [smem:$0x3F9B];
	_ =	swait.ge [sflag:s4], $0x0  }
0x19: {  	s7 =	sld [smem:$0x3F9C]  }
0x1a: {  	s8 =	sadd.s32 $0xFFFFE003, lr  }
0x1b: {  	s9 =	sadd.s32 $0xFFFFFEF7, lr;
	s5 =	simm.s32 $0xFFFFFFFF;
	p2 =	slt.u32 s8, $0xFFFFF086  }
0x1c: {  	p1 =	slt.u32 s9, $0xF7A;
	s5 =	simm.s32 @!p2 $0x0  }
0x1d: {  	s5 =	simm.s32 @p1 $0x1;
	p0 =	seq.s32 s7, s2  }
0x1e: {  	s7 =	smul.u32 @!p0 $0xF7A, s2;
	p2 =	seq.s32 @!p0 s5, $0x0  }
0x1f: {  	s9 =	smul.u32 $0xF7A, s1;
	s8 =	simm.s32 @!p0 $0x1BF5;
	p2 =	por !p2, p0  }
0x20: {  	[sflag:s8] =	ssyncset.s32 @!p0 $0xFFFFF086;
	s6 =	sadd.s32 @!p0 s3, s7;
	s7 =	simm.s32 @!p0 $0x108  }
0x21: {  	s3 =	sadd.s32 s3, s9;
	s6 =	sadd.s32 @!p0 $0x88, s6;
	s7 =	simm.s32 @p2 $0x1082  }
0x22: {  	[simem:s7], [sflag:s8] =	dma.local @!p0 [hbm:s6], $0xF7A  }
0x23: {  	s9 =	sor.u32 $0xD0000000, s2;
	s6 =	simm.s32 $0x108;
	_ =	swait.ge @!p0 [sflag:s8], $0x0  }
0x24: {  	s3 =	sadd.s32 $0x88, s3;
	s6 =	simm.s32 @!p1 $0x1082;
	[sflag:s4] =	ssyncset.s32 $0xFFFFF086  }
0x25: {  	[simem:s6], [sflag:s4] =	dma.local [hbm:s3], $0xF7A  }
0x26: {  	[smem:$0x3F9C] =	sst s1;
	(tag) =	ssettag s2;
	_ =	strace s9  }
0x27: {  	s1 =	sld [smem:$0x3FAC]  }
0x28: {  	s2 =	sld [smem:$0x3FAD]  }
0x29: {  	s4 =	sld [smem:$0x3FAF]  }
0x2a: {  	p0 =	seq.s32 s5, $0x0;
	s5 =	sld [smem:$0x3FB0]  }
0x2b: {  	s6 =	sld [smem:$0x3FB1]  }
0x2c: {  	s7 =	sld [smem:$0x3FB2]  }
0x2d: {  	s3 =	simm.s32 $0x108;
	s8 =	sld [smem:$0x3FB3]  }
0x2e: {  	s3 =	simm.s32 @!p0 $0x1082;
	s9 =	sld [smem:$0x3FB4]  }
0x2f: {  	lr =	sadd.s32 s0, s3;
	s0 =	sld [smem:$0x3FAB]  }
0x30: {  	s3 =	sld [smem:$0x3FAE]  }
0x31: {  	[smem:$0x3FB7] =	sst s10  }
0x32: {  	s10 =	sld [smem:$0x3FB5];
	_ =	sdelay $0x3  }
0x33: {  	p0 =	seq.s32 s10, $0x1;
	s10 =	sld [smem:$0x3FB7];
	_ =	sdelay $0x3  }
0x34: {  	[smem:$0x3FB7] =	sst s10  }
0x35: {  	s10 =	sld [smem:$0x3FB6];
	_ =	sdelay $0x3  }
0x36: {  	p1 =	seq.s32 s10, $0x1;
	s10 =	sld [smem:$0x3FB7];
	_ =	sdelay $0x3  }
0x37: {  	[smem:$0x3FB7] =	sst s10  }
0x38: {  	s10 =	sld [smem:$0x3FB8]  }
0x39: {  	_ = 	snop;
	(pc) =	sbr.ind lr, $3  }
0x3a: {  	_ = 	snop  }
0x3b: {  	_ = 	snop  }
0x3c: {  	p2 =	seq.s32 s10, $0x1;
	s10 =	sld [smem:$0x3FB7]  }
0x3d: {  	_ =	shalt  }
0x3e: {  	_ =	shalt  }
0x3f: {  	_ =	shalt  }
0x40: {  	_ =	shalt  }
0x41: {  	_ =	shalt  }
0x42: {  	_ =	shalt  }
0x43: {  	_ =	shalt  }
0x44: {  	_ =	shalt  }
0x45: {  	_ =	shalt  }
0x46: {  	_ =	shalt  }
0x47: {  	_ =	shalt  }
0x48: {  	_ =	shalt  }
0x49: {  	_ =	shalt  }
0x4a: {  	_ =	shalt  }
0x4b: {  	_ =	shalt  }
0x4c: {  	_ =	shalt  }
0x4d: {  	_ =	shalt  }
0x4e: {  	_ =	shalt  }
0x4f: {  	_ =	shalt  }
0x50: {  	_ =	shalt  }
0x51: {  	_ =	shalt  }
0x52: {  	_ =	shalt  }
0x53: {  	_ =	shalt  }
0x54: {  	_ =	shalt  }
0x55: {  	_ =	shalt  }
0x56: {  	_ =	shalt  }
0x57: {  	_ =	shalt  }
0x58: {  	_ =	shalt  }
0x59: {  	_ =	shalt  }
0x5a: {  	_ =	shalt  }
0x5b: {  	_ =	shalt  }
0x5c: {  	_ =	shalt  }
0x5d: {  	_ =	shalt  }
0x5e: {  	_ =	shalt  }
0x5f: {  	_ =	shalt  }
0x60: {  	_ =	shalt  }
0x61: {  	_ =	shalt  }
0x62: {  	_ =	shalt  }
0x63: {  	_ =	shalt  }
0x64: {  	_ =	shalt  }
0x65: {  	_ =	shalt  }
0x66: {  	_ =	shalt  }
0x67: {  	_ =	shalt  }
0x68: {  	_ =	shalt  }
0x69: {  	_ =	shalt  }
0x6a: {  	_ =	shalt  }
0x6b: {  	_ =	shalt  }
0x6c: {  	_ =	shalt  }
0x6d: {  	_ =	shalt  }
0x6e: {  	_ =	shalt  }
0x6f: {  	_ =	shalt  }
0x70: {  	_ =	shalt  }
0x71: {  	_ =	shalt  }
0x72: {  	_ =	shalt  }
0x73: {  	_ =	shalt  }
0x74: {  	_ =	shalt  }
0x75: {  	_ =	shalt  }
0x76: {  	_ =	shalt  }
0x77: {  	_ =	shalt  }
0x78: {  	_ =	shalt  }
0x79: {  	_ =	shalt  }
0x7a: {  	_ =	shalt  }
0x7b: {  	_ =	shalt  }
0x7c: {  	_ =	shalt  }
0x7d: {  	_ =	shalt  }
0x7e: {  	_ =	shalt  }
0x7f: {  	_ =	shalt  }
0x80: {  	_ =	shalt  }
0x81: {  	_ =	shalt  }
0x82: {  	_ =	shalt  }
0x83: {  	_ =	shalt  }
0x84: {  	_ =	shalt  }
0x85: {  	_ =	shalt  }
0x86: {  	_ =	shalt  }
0x87: {  	_ =	shalt  }
.Lfunc_end0:
.L_simem_size_0:
called_computation_lowered:
.L_overlay_start_0:
0x88: {  	s2 =	sld [smem:$0x3FD9]  }
0x89: {  	s3 =	sld [smem:$0x3FFE];
	_ =	sdelay $0x1  }
0x8a: {  	s1 =	srdreg.scid  }
0x8b: {  	s0 =	sand.u32 $0x1, s1  }
0x8c: {  	s17 =	sshll.u32 s0, $0xA;
	s2 =	sadd.s32 s3, s2  }
0x8d: {  	s2 =	sadd.s32 s2, s17  }
0x8e: {  	[smem:$0x3FC3] =	sst s2  }
0x8f: {  	_ = 	snop  }
0x90: {  	s2 =	sld [smem:$0x3FC6]  }
0x91: {  	s18 =	sld [smem:$0x3FC5]  }
0x92: {  	s4 =	sld [smem:$0x3FD0];
	(tm) =	ssettm $0x1  }
0x93: {  	s5 =	sld [smem:$0x3FFB];
	_ =	sdelay $0x3  }
0x94: {  	_ =	strace s5  }
0x95: {  	s5 =	sld [smem:$0x3FFC];
	_ =	sdelay $0x3  }
0x96: {  	_ =	strace s5  }
0x97: {  	s5 =	sld [smem:$0x3FFD];
	_ =	sdelay $0x3  }
0x98: {  	_ =	strace s5  }
0x99: {  	_ =	strace $0x8FFFFFFF  }
0x9a: {  	s19 =	sld [smem:$0x3FDB];
	_ =	sdelay $0x1  }
0x9b: {  	s6 =	simm.s32 $_scs_section_size  }
0x9c: {  	s7 =	simm.s32 $_size__tile_overlayer_lowered;
	s8 =	simm.s32 $_tile_overlayer_lowered  }
0x9d: {  	s22 =	simm.s32 $0x1BFF;
	s21 =	sshll.u32 s8, $0x1;
	s5 =	sadd.s32 s6, s19  }
0x9e: {  	s9 =	simm.s32 $0x0;
	s20 =	sshll.u32 s7, $0x1;
	s7 =	sadd.s32 s21, s5  }
0x9f: {  	[timem:s9], [sflag:s22] =	dma.local [hbm:s7], s20  }
0xa0: {  	_ =	swait.ge [sflag:s22], s20  }
0xa1: {  	s6 =	ssub.s32 $0x0, s20;
	[sflag:s22] =	ssyncset.done $0x0  }
0xa2: {  	[sflag:s22] =	ssyncadd.s32 s6;
	_ =	sdelay $0x1  }
0xa3: {  	s23 =	simm.s32 $0x1B8B  }
0xa4: {  	_ =	swait.ge [sflag:s23], $0x1  }
0xa5: {  	[sflag:s23] =	ssyncset.done $0x0  }
0xa6: {  	s25 =	simm.s32 $0x1B8E;
	s24 =	sld [smem:$0x3FFE];
	[sflag:s23] =	ssyncadd.s32 $0xFFFFFFFF  }
0xa7: {  	s26 =	simm.s32 $execute0_lowered;
	[smem:$0x3FD2] =	sst s25  }
0xa8: {  	s7 =	sshll.u32 s26, $0x1;
	_ =	strace $0x80000046;
	[dreg:$0x1] =	wrdreg $0xFFFFFFFF  }
0xa9: {  	s28 =	simm.s32 $_size_execute0_lowered;
	s5 =	sadd.s32 s5, s7;
	[dreg:$0x0] =	wrdreg $0x0  }
0xaa: {  	s7 =	sshll.u32 s28, $0x1;
	[dreg:$0x2] =	wrdreg s5  }
0xab: {  	[dreg:$0x3] =	wrdreg s7  }
0xac: {  	[dreg:$0x4] =	wrdreg $0xC0  }
0xad: {  	_ =	task [dreg:s9], $0x5FFFF  }
0xae: {  	[dreg:$0x1] =	wrdreg $0xFFFFFFFF  }
0xaf: {  	[dreg:$0x0] =	wrdreg $0x60  }
0xb0: {  	[dreg:$0x2] =	wrdreg s24  }
0xb1: {  	[dreg:$0x3] =	wrdreg s2  }
0xb2: {  	[dreg:$0x4] =	wrdreg s18  }
0xb3: {  	[dreg:$0x5] =	wrdreg s4  }
0xb4: {  	[dreg:$0x6] =	wrdreg $0x9  }
0xb5: {  	_ =	task.clear_ibuf [dreg:s9], $0x7FFFF;
	_ =	strace $0x90000046  }
0xb6: {  	s29 =	simm.s32 $0x9;
	_ =	strace $0x80000048  }
0xb7: {  	_ =	swait.ge [sflag:s29], $0x1  }
0xb8: {  	[sflag:s29] =	ssyncadd.s32 $0xFFFFFFFF  }
0xb9: {  	_ =	strace $0x90000048  }
0xba: {  	_ =	sfence  }
0xbb: {  	s30 =	sld [smem:$0x0];
	_ =	sdelay $0x2  }
0xbc: {  	s31 =	sshll.u32 s1, $0xD;
	s1 =	sshrl.u32 s1, $0x2  }
0xbd: {  	s3 =	sand.u32 $0x4000, s31;
	s1 =	sadd.s32 s1, s30  }
0xbe: {  	s0 =	sor.u32 s3, s0;
	s1 =	sshll.u32 s1, $0x11  }
0xbf: {  	s0 =	sor.u32 s1, s0  }
0xc0: {  	s0 =	sadd.s32 $0x8F2B, s0  }
0xc1: {  	[sflag:s0] =	ssyncadd.remote.s32 $0x1  }
0xc2: {  	_ =	sfence.sel $0xFFFF  }
0xc3: {  	[dreg:$0x0] =	wrdreg $0xFFFFFFFF;
	(pc) =	sbr.abs _section_cstart, $3  }
0xc4: {  	[dreg:$0x1] =	wrdreg $0xFFFFFFFF  }
0xc5: {  	_ =	task.clear_ibuf [dreg:s9], $0x2FFFF;
	_ =	strace $0x9FFFFFFF  }
0xc6: {  	(tm) =	ssettm $0x7FFFFFFF  }
0xc7: {  	_ =	shalt  }
tec
execute0_lowered:
.L_overlay_start_1:
0x0: {  	(tag) =	ssettag $0x1  }
0x1: {  	s1 =	rddreg [dreg:$0x0]  }
0x2: {  	s0 =	rddreg [dreg:$0x1]  }
0x3: {  	s2 =	rddreg [dreg:$0x2]  }
0x4: {  	v0 =	vimm.s32 $0xFEDCBA9;
	s8 =	rddreg [dreg:$0x3];
	v1 =	vimm.s32 $0x87654321  }
0x5: {  	s4 =	srdreg.scid;
	s3 =	stileid.u32;
	v2 =	vimm.s32 $0x10FEDCBA;
	v3 =	vimm.s32 $0x98765432;
	v4 =	vimm.s32 $0x3210FEDC  }
0x6: {  	v5 =	vimm.s32 $0xFEDCBA98;
	v6 =	vimm.s32 $0xBA987654;
	s11 =	simm.s32 $0x400;
	s12 =	simm.s32 $0x1;
	s13 =	simm.s32 $0x80  }
0x7: {  	v7 =	vimm.s32 $0x76543210;
	s14 =	simm.s32 $0x600;
	s15 =	simm.s32 $0x8600;
	s16 =	simm.s32 $0x10600;
	v0 =	vunpack.c.l.s4.s8 v0  }
0x8: {  	s17 =	simm.s32 $0x2;
	s18 =	simm.s32 $0x18600;
	s19 =	simm.s32 $0x3;
	v1 =	vunpack.c.l.s4.s8 v1;
	v2 =	vunpack.c.l.s4.s8 v2;
	v3 =	vunpack.c.l.s4.s8 v3  }
0x9: {  	s20 =	simm.s32 $0x0;
	s5 =	sand.u32 $0x1, s4;
	s4 =	simm.s32 $0x0;
	v5 =	vunpack.c.l.s4.s8 v5;
	v4 =	vunpack.c.l.s4.s8 v4;
	v6 =	vunpack.c.l.s4.s8 v6  }
0xa: {  	s6 =	sshll.u32 s3, $0x7;
	v7 =	vunpack.c.l.s4.s8 v7;
	s7 =	sshll.u32 s5, $0x6;
	s5 =	ssub.s32 $0x2, s5;
	v0 =	vunpack.c.0.s8.s32 v0;
	v1 =	vunpack.c.0.s8.s32 v1  }
0xb: {  	[smem:$0x7FF] =	sst s4;
	s9 =	sor.u32 s7, s6;
	s31 =	sshrl.u32 s5, $0x1;
	v2 =	vunpack.c.0.s8.s32 v2;
	v3 =	vunpack.c.0.s8.s32 v3;
	v5 =	vunpack.c.0.s8.s32 v5  }
0xc: {  	_ =	strace $0x80000047;
	v4 =	vunpack.c.0.s8.s32 v4;
	v6 =	vunpack.c.0.s8.s32 v6;
	v7 =	vunpack.c.0.s8.s32 v7;
	s1 =	sadd.s32 s9, s1;
	s10 =	ssub.s32 s5, s31  }
0xd: {  	s8 =	sadd.s32 s8, s9;
	s5 =	sadd.s32 $0x400, s1;
	s6 =	sadd.s32 $0xC00, s1;
	v0 =	vcombine.low v1, v0;
	v1 =	vcombine.low v3, v2;
	v3 =	vand.u32 $0xF, v5  }
0xe: {  	s7 =	sadd.s32 $0x1400, s1;
	s9 =	smax.u32 s10, $0x1;
	s10 =	simm.s32 $0x200;
	v2 =	vcombine.low v6, v4;
	v4 =	vlaneseq.u32;
	v3 =	vcombine.low v3, v7  }
.LBB2_1:
0xf: {  	[tilespmem:s4], [sflag:$0x1] =	stream.linear.gather [hbm4b:s5+s4], $0x200, $0x38;
	[tilespmem:$0x18800] =	vst v63  }
0x10: {  	_ = 	snop  }
0x11: {  	[tilespmem:s10], [sflag:$0x1] =	stream.linear.gather [hbm4b:s6+s4], $0x200, $0x38;
	[tilespmem:$0x18800] =	vst v63  }
0x12: {  	_ = 	snop  }
0x13: {  	[tilespmem:s11], [sflag:$0x1] =	stream.linear.gather [hbm4b:s7+s4], $0x200, $0x38;
	[tilespmem:$0x18800] =	vst v63  }
0x14: {  	_ =	swait.ge [sflag:s12], $0x200  }
0x15: {  	[sflag:s12] =	ssyncset.done $0x0  }
0x16: {  	[sflag:s12] =	ssyncadd.s32 $0xFFFFFE00  }
0x17: {  	_ =	swait.ge [sflag:s12], $0x200  }
0x18: {  	[sflag:s12] =	ssyncset.done $0x0  }
0x19: {  	[sflag:s12] =	ssyncadd.s32 $0xFFFFFE00  }
0x1a: {  	_ =	swait.ge [sflag:s12], $0x200  }
0x1b: {  	[sflag:s12] =	ssyncset.done $0x0  }
0x1c: {  	[sflag:s12] =	ssyncadd.s32 $0xFFFFFE00  }
0x1d: {  	[tilespmem:s14], [sflag:$0x2] =	stream.indirect.gather [hbm4b:s0+s13], $0x80, s4, s13, $0xb8;
	[tilespmem:$0x18800] =	vst v63  }
0x1e: {  	_ = 	snop  }
0x1f: {  	[tilespmem:s15], [sflag:$0x2] =	stream.indirect.gather [hbm4b:s2+s13], $0x80, s10, s13, $0xb8;
	[tilespmem:$0x18800] =	vst v63  }
0x20: {  	p0 =	por $0x0, $0x0;
	s21 =	simm.s32 $0x0  }
0x21: {  	[tilespmem:s16], [sflag:$0x2] =	stream.indirect.gather [hbm4b:s0+s13], $0x80, s11, s13, $0xb8;
	[tilespmem:$0x18800] =	vst v63  }
.LBB2_3:
0x22: {  	_ =	swait.ge [sflag:s17], $0x4000  }
0x23: {  	[sflag:s17] =	ssyncset.done $0x0  }
0x24: {  	[sflag:s17] =	ssyncadd.s32 $0xFFFFC000  }
0x25: {  	_ =	swait.ge [sflag:s17], $0x4000  }
0x26: {  	s1 =	smov.u32 s21;
	[sflag:s17] =	ssyncset.done $0x0  }
0x27: {  	s21 =	sadd.s32 $0x1, s21;
	p1 =	seq.s32 s1, $0x3;
	[sflag:s17] =	ssyncadd.s32 $0xFFFFC000  }
0x28: {  	s22 =	sshll.u32 @!p1 s21, $0xE;
	s23 =	sshll.u32 @!p1 s21, $0x7;
	_ =	swait.ge [sflag:s17], $0x4000  }
0x29: {  	s25 =	simm.s32 @!p1 $0x80;
	s22 =	sand.u32 @!p1 $0x4000, s22;
	[sflag:s17] =	ssyncset.done $0x0  }
0x2a: {  	s23 =	sand.u32 @!p1 $0x3FFFFF80, s23;
	s24 =	sor.u32 @!p1 $0x600, s22;
	[sflag:s17] =	ssyncadd.s32 $0xFFFFC000  }
0x2b: {  	[tilespmem:s24], [sflag:$0x2] =	stream.indirect.gather @!p1 [hbm4b:s0+s25], $0x80, s23, s25, $0xb8;
	[tilespmem:$0x18800] =	vst v63  }
0x2c: {  	s1 =	sshll.u32 s1, $0x7;
	s26 =	sadd.s32 @!p1 $0x200, s23;
	s24 =	sor.u32 @!p1 $0x8600, s22  }
0x2d: {  	[tilespmem:s24], [sflag:$0x2] =	stream.indirect.gather @!p1 [hbm4b:s2+s25], $0x80, s26, s25, $0xb8;
	[tilespmem:$0x18800] =	vst v63  }
0x2e: {  	s1 =	sand.u32 $0x3FFFFF80, s1;
	s24 =	simm.s32 $0x1  }
0x2f: {  	s22 =	sor.u32 @!p1 $0x10600, s22;
	s23 =	sadd.s32 @!p1 $0x400, s23;
	s24 =	simm.s32 @!p0 $0x0  }
0x30: {  	[tilespmem:s22], [sflag:$0x2] =	stream.indirect.gather @!p1 [hbm4b:s0+s25], $0x80, s23, s25, $0xb8;
	[tilespmem:$0x18800] =	vst v63  }
0x31: {  	s1 =	sadd.s32 $0x18600, s1;
	s24 =	sshll.u32 s24, $0xE;
	s25 =	simm.s32 $0x0  }
0x32: {  	v5 =	vmov s1;
	s22 =	sor.u32 $0x640, s24;
	s23 =	sor.u32 $0x8640, s24;
	s24 =	sor.u32 $0x10640, s24  }
.LBB2_4:
0x33: {  	v6 =	vld [tilespmem:s23+$0xFFFFFFF0]  }
0x34: {  	v11 =	vld [tilespmem:s23+$0x30]  }
0x35: {  	v7 =	vld [tilespmem:s23+$0xFFFFFFE0]  }
0x36: {  	v8 =	vld [tilespmem:s23+$0x20]  }
0x37: {  	v9 =	vld [tilespmem:s23+$0xFFFFFFD0]  }
0x38: {  	v10 =	vld [tilespmem:s23+$0xFFFFFFC0]  }
0x39: {  	v12 =	vld [tilespmem:s23+$0x0]  }
0x3a: {  	v13 =	vld [tilespmem:s24+$0xFFFFFFC0]  }
0x3b: {  	v14 =	vld [tilespmem:s24+$0x0]  }
0x3c: {  	v15 =	vld [tilespmem:s23+$0x10]  }
0x3d: {  	v16 =	vld [tilespmem:s24+$0xFFFFFFD0]  }
0x3e: {  	v17 =	vld [tilespmem:s24+$0x10]  }
0x3f: {  	v18 =	vld [tilespmem:s22+$0xFFFFFFC0]  }
0x40: {  	v19 =	vld [tilespmem:s24+$0xFFFFFFE0];
	v20 =	vmul.f32 v13, v10;
	v21 =	vmul.f32 v14, v12  }
0x41: {  	v22 =	vld [tilespmem:s22+$0x0]  }
0x42: {  	v23 =	vld [tilespmem:s24+$0x20];
	v10 =	vmul.f32 v14, v10;
	v12 =	vmul.f32 v13, v12;
	v14 =	vadd.f32 v21, v20  }
0x43: {  	v13 =	vld [tilespmem:s22+$0xFFFFFFD0];
	v58 =	vmul.f32 v16, v9;
	v59 =	vmul.f32 v17, v15  }
0x44: {  	v9 =	vmul.f32 v17, v9;
	v17 =	vld [tilespmem:s24+$0x30];
	v10 =	vsub.f32 v10, v12;
	v12 =	vmul.f32 v14, v18  }
0x45: {  	v15 =	vmul.f32 v16, v15;
	v14 =	vld [tilespmem:s22+$0x10]  }
0x46: {  	v16 =	vld [tilespmem:s22+$0xFFFFFFE0];
	v18 =	vadd.f32 v59, v58;
	v10 =	vmul.f32 v10, v22;
	v12 =	vadd.f32 $0.0e+00, v12  }
0x47: {  	v24 =	vld [tilespmem:s24+$0xFFFFFFF0];
	v60 =	vmul.f32 v19, v7;
	v61 =	vmul.f32 v23, v8  }
0x48: {  	v62 =	vld [tilespmem:s22+$0x30];
	v9 =	vsub.f32 v9, v15;
	v10 =	vadd.f32 v12, v10;
	v12 =	vmul.f32 v18, v13  }
0x49: {  	v19 =	vmul.f32 v19, v8;
	v15 =	vadd.f32 v61, v60;
	v13 =	vld [tilespmem:s22+$0x20]  }
0x4a: {  	v63 =	vld [tilespmem:s22+$0xFFFFFFF0];
	s30 =	sadd.s32 $0x80, s23;
	v18 =	vmul.f32 v23, v7;
	v9 =	vmul.f32 v9, v14;
	v10 =	vadd.f32 v12, v10  }
0x4b: {  	v8 =	vld [tilespmem:s30+$0x30];
	v15 =	vmul.f32 v15, v16;
	v14 =	vmul.f32 v17, v11  }
0x4c: {  	v7 =	vld [tilespmem:s30+$0xFFFFFFF0];
	v12 =	vmul.f32 v24, v6;
	v18 =	vsub.f32 v18, v19;
	v19 =	vadd.f32 v10, v9  }
0x4d: {  	v16 =	vmul.f32 v24, v11;
	v11 =	vld [tilespmem:s30+$0xFFFFFFD0];
	v6 =	vmul.f32 v17, v6  }
0x4e: {  	v9 =	vld [tilespmem:s30+$0xFFFFFFE0];
	v12 =	vadd.f32 v14, v12;
	v13 =	vmul.f32 v18, v13;
	v15 =	vadd.f32 v15, v19  }
0x4f: {  	v10 =	vld [tilespmem:s30+$0x20]  }
0x50: {  	s29 =	sadd.s32 $0x80, s24;
	v14 =	vld [tilespmem:s30+$0xFFFFFFC0];
	v17 =	vsub.f32 v6, v16;
	v12 =	vmul.f32 v12, v63;
	v13 =	vadd.f32 v15, v13  }
0x51: {  	v16 =	vld [tilespmem:s29+$0xFFFFFFC0]  }
0x52: {  	s26 =	simm.s32 $0x1;
	v15 =	vld [tilespmem:s30+$0x0];
	v12 =	vadd.f32 v12, v13;
	v13 =	vmul.f32 v17, v62  }
0x53: {  	s1 =	simm.s32 $0x2;
	s31 =	smov.u32 s22;
	s28 =	simm.s32 $0x0;
	v6 =	vimm.f32 $0.0e+00;
	v17 =	vld [tilespmem:s29+$0x0]  }
.LBB2_5:
0x54: {  	p1 =	sne.s32 s1, $0xF;
	v18 =	vld [tilespmem:s30+$0x10];
	v12 =	vadd.f32 v12, v13  }
0x55: {  	v13 =	vld [tilespmem:s29+$0xFFFFFFD0]  }
0x56: {  	s31 =	sadd.s32 $0x80, s31;
	v19 =	vld [tilespmem:s29+$0x10];
	v20 =	vperm.xlane v12, v0  }
0x57: {  	v21 =	vld [tilespmem:s31+$0xFFFFFFC0]  }
0x58: {  	v22 =	vmul.f32 v16, v14;
	v23 =	vmul.f32 v17, v15;
	v24 =	vld [tilespmem:s29+$0xFFFFFFE0];
	v12 =	vadd.f32 v12, v20  }
0x59: {  	v14 =	vmul.f32 v17, v14;
	v17 =	vmov s28;
	s28 =	smov.u32 s26;
	s26 =	smov.u32 s1;
	v20 =	vld [tilespmem:s31+$0x0]  }
0x5a: {  	v15 =	vmul.f32 v16, v15;
	v22 =	vadd.f32 v23, v22;
	v16 =	vld [tilespmem:s29+$0x20];
	v23 =	vperm.xlane v12, v1  }
0x5b: {  	vm0 =	veq.s32 v17, v4;
	v26 =	vmul.f32 v13, v11;
	v25 =	vld [tilespmem:s31+$0xFFFFFFD0];
	v27 =	vmul.f32 v19, v18  }
0x5c: {  	v14 =	vsub.f32 v14, v15;
	v15 =	vmul.f32 v22, v21;
	v17 =	vld [tilespmem:s29+$0xFFFFFFF0];
	v12 =	vadd.f32 v12, v23  }
0x5d: {  	v13 =	vmul.f32 v13, v18;
	v11 =	vmul.f32 v19, v11;
	v21 =	vld [tilespmem:s31+$0x10];
	v22 =	vadd.f32 v27, v26  }
0x5e: {  	v15 =	vadd.f32 $0.0e+00, v15;
	v14 =	vmul.f32 v14, v20;
	v18 =	vld [tilespmem:s29+$0x30];
	v19 =	vperm.xlane v12, v2  }
0x5f: {  	v11 =	vsub.f32 v11, v13;
	v20 =	vmul.f32 v24, v9;
	v13 =	vld [tilespmem:s31+$0xFFFFFFE0];
	v23 =	vmul.f32 v16, v10  }
0x60: {  	v14 =	vadd.f32 v15, v14;
	v15 =	vmul.f32 v22, v25;
	v22 =	vld [tilespmem:s31+$0x30];
	v12 =	vadd.f32 v12, v19  }
0x61: {  	v9 =	vmul.f32 v16, v9;
	v10 =	vmul.f32 v24, v10;
	v19 =	vld [tilespmem:s31+$0x20];
	v20 =	vadd.f32 v23, v20  }
0x62: {  	s30 =	sadd.s32 $0x80, s30;
	v14 =	vadd.f32 v15, v14;
	v11 =	vmul.f32 v11, v21;
	v15 =	vld [tilespmem:s31+$0xFFFFFFF0];
	v16 =	vperm.xlane v12, v3  }
0x63: {  	v23 =	vsub.f32 v9, v10;
	v10 =	vmul.f32 v17, v7;
	v21 =	vld [tilespmem:s30+$0xFFFFFFF0];
	v24 =	vmul.f32 v18, v8  }
0x64: {  	v25 =	vld [tilespmem:s30+$0x30];
	v11 =	vadd.f32 v14, v11;
	v13 =	vmul.f32 v20, v13;
	v12 =	vadd.f32 v12, v16  }
0x65: {  	v18 =	vmul.f32 v18, v7;
	v8 =	vmul.f32 v17, v8;
	v9 =	vld [tilespmem:s30+$0xFFFFFFE0];
	v16 =	vadd.f32 v24, v10  }
0x66: {  	v10 =	vld [tilespmem:s30+$0x20];
	v13 =	vadd.f32 v13, v11;
	v17 =	vmul.f32 v23, v19;
	v6 =	vsel vm0, v12, v6  }
.Ltmp0:
0x67: {  	v11 =	vld [tilespmem:s30+$0xFFFFFFD0];
	(pc) =	sbr.rel @p1 .LBB2_5-.Ltmp0, $4  }
0x68: {  	v14 =	vld [tilespmem:s30+$0xFFFFFFC0];
	v12 =	vadd.f32 v13, v17;
	v13 =	vsub.f32 v18, v8;
	v17 =	vmul.f32 v16, v15;
	v7 =	vmovc v21  }
0x69: {  	s29 =	sadd.s32 $0x80, s29;
	v15 =	vld [tilespmem:s30+$0x0];
	v8 =	vmov v25  }
0x6a: {  	v16 =	vld [tilespmem:s29+$0xFFFFFFC0];
	v12 =	vadd.f32 v17, v12;
	v13 =	vmul.f32 v13, v22  }
0x6b: {  	s1 =	sadd.s32 $0x1, s1;
	v17 =	vld [tilespmem:s29+$0x0]  }
0x6c: {  	v18 =	vld [tilespmem:s30+$0x10]  }
0x6d: {  	v19 =	vld [tilespmem:s29+$0xFFFFFFD0]  }
0x6e: {  	v20 =	vld [tilespmem:s29+$0x10];
	s1 =	sadd.s32 $0x80, s31  }
0x6f: {  	v21 =	vld [tilespmem:s1+$0xFFFFFFC0]  }
0x70: {  	v24 =	vld [tilespmem:s29+$0xFFFFFFE0];
	v22 =	vmul.f32 v16, v14;
	v23 =	vmul.f32 v17, v15  }
0x71: {  	v25 =	vld [tilespmem:s1+$0x0]  }
0x72: {  	v35 =	vld [tilespmem:s29+$0x20];
	v34 =	vmul.f32 v16, v15;
	v32 =	vmul.f32 v17, v14;
	v33 =	vadd.f32 v23, v22  }
0x73: {  	v36 =	vld [tilespmem:s1+$0xFFFFFFD0];
	v37 =	vmul.f32 v19, v11  }
0x74: {  	v39 =	vld [tilespmem:s29+$0xFFFFFFF0];
	v26 =	vmul.f32 v20, v18;
	v14 =	vsub.f32 v32, v34;
	v38 =	vmul.f32 v33, v21  }
0x75: {  	v40 =	vld [tilespmem:s1+$0x10];
	v41 =	vmul.f32 v20, v11;
	v18 =	vmul.f32 v19, v18  }
0x76: {  	v42 =	vld [tilespmem:s29+$0x30];
	v23 =	vadd.f32 v26, v37;
	v14 =	vmul.f32 v14, v25;
	v15 =	vadd.f32 $0.0e+00, v38  }
0x77: {  	v43 =	vld [tilespmem:s1+$0xFFFFFFE0];
	v44 =	vmul.f32 v24, v9;
	v45 =	vmul.f32 v35, v10  }
0x78: {  	v11 =	vsub.f32 v41, v18;
	v46 =	vmul.f32 v23, v36;
	v14 =	vadd.f32 v15, v14  }
0x79: {  	v47 =	vld [tilespmem:s1+$0x20];
	v49 =	vmul.f32 v35, v9;
	v50 =	vmul.f32 v24, v10  }
0x7a: {  	v48 =	vadd.f32 v45, v44;
	v11 =	vmul.f32 v11, v40;
	v14 =	vadd.f32 v46, v14  }
0x7b: {  	v51 =	vld [tilespmem:s1+$0xFFFFFFF0];
	v52 =	vmul.f32 v39, v7;
	v53 =	vmul.f32 v42, v8  }
0x7c: {  	v9 =	vsub.f32 v49, v50;
	v55 =	vmul.f32 v48, v43;
	v54 =	vadd.f32 v14, v11  }
0x7d: {  	v56 =	vld [tilespmem:s1+$0x30];
	v7 =	vmul.f32 v42, v7;
	v57 =	vmul.f32 v39, v8  }
0x7e: {  	v16 =	vadd.f32 v53, v52;
	v9 =	vmul.f32 v9, v47;
	v10 =	vadd.f32 v55, v54;
	_ =	sdelay $0x1  }
0x7f: {  	v7 =	vsub.f32 v7, v57;
	v58 =	vmul.f32 v16, v51;
	v9 =	vadd.f32 v10, v9;
	_ =	sdelay $0x1  }
0x80: {  	v7 =	vmul.f32 v7, v56;
	v8 =	vadd.f32 v58, v9  }
0x81: {  	v59 =	vadd.f32 v12, v13  }
0x82: {  	v7 =	vadd.f32 v8, v7  }
0x83: {  	v60 =	vperm.xlane v59, v0  }
0x84: {  	v61 =	vperm.xlane v7, v0  }
0x85: {  	v8 =	vadd.f32 v59, v60  }
0x86: {  	v7 =	vadd.f32 v7, v61  }
0x87: {  	v9 =	vperm.xlane v8, v1  }
0x88: {  	v10 =	vperm.xlane v7, v1  }
0x89: {  	v8 =	vadd.f32 v8, v9  }
0x8a: {  	v7 =	vadd.f32 v7, v10  }
0x8b: {  	v9 =	vperm.xlane v8, v2  }
0x8c: {  	v10 =	vperm.xlane v7, v2  }
0x8d: {  	v8 =	vadd.f32 v8, v9  }
0x8e: {  	v7 =	vadd.f32 v7, v10  }
0x8f: {  	s31 =	sshll.u32 s25, $0x4;
	s25 =	sadd.s32 $0x1, s25;
	v9 =	vperm.xlane v8, v3  }
0x90: {  	p1 =	seq.s32 s25, $0x8;
	v10 =	vperm.xlane v7, v3  }
.Ltmp1:
0x91: {  	v62 =	vmov s28;
	v8 =	vadd.f32 v8, v9;
	(pc) =	sbr.rel @!p1 .LBB2_4-.Ltmp1, $4  }
0x92: {  	v63 =	vmov s26;
	vm0 =	veq.s32 v62, v4;
	v7 =	vadd.f32 v7, v10  }
0x93: {  	vm15 =	veq.s32 v63, v4;
	v6 =	vsel vm0, v8, v6  }
0x94: {  	s1 =	sand.u32 $0x3FFFFFF0, s31;
	v6 =	vsel vm15, v7, v6  }
0x95: {  	s22 =	sadd.s32 $0x800, s22;
	s23 =	sadd.s32 $0x800, s23;
	s24 =	sadd.s32 $0x800, s24;
	[tilespmem:v5+s1+$0x0 ss:$0x1] =	vst.idx.msk $0xffff, v6  }
0x96: {  	p1 =	seq.s32 s21, $0x4  }
.Ltmp2:
0x97: {  	_ = 	snop;
	(pc) =	sbr.rel @!p1 .LBB2_3-.Ltmp2, $2  }
0x98: {  	_ =	sdelay $0x2  }
0x99: {  	p0 =	por !p0, !p0  }
0x9a: {  	s20 =	sadd.s32 $0x1, s20  }
0x9b: {  	p0 =	sne.s32 s20, s9  }
.Ltmp3:
0x9c: {  	_ = 	snop;
	(pc) =	sbr.rel @p0 .LBB2_1-.Ltmp3, $4  }
0x9d: {  	[hbm4b:s8+s4] =	stream.linear.scatter [tilespmem:s18], [sflag:$0x3], $0x200, $0x38;
	[tilespmem:$0x18800] =	vst v63  }
0x9e: {  	_ =	swait.ge [sflag:s19], $0x200  }
0x9f: {  	[sflag:s19] =	ssyncset.done $0x0  }
0xa0: {  	[sflag:s19] =	ssyncadd.s32 $0xFFFFFE00  }
0xa1: {  	_ =	sfence.sel $0x180000  }
0xa2: {  	[bflag:$0x0] =	sbarrier.arrive $0xFFFF  }
0xa3: {  	_ =	strace $0x90000047  }
0xa4: {  	[bflag:$0x2] =	sbarrier.arrive $0xFFFF  }
0xa5: {  	p0 =	sne.s32 s3, $0x0;
	s0 =	rddreg [dreg:$0x4]  }
0xa6: {  	s0 =	sadd.s32 @!p0 $0x100000, s0  }
0xa7: {  	[sflag:s0] =	ssyncadd.tile.s32 @!p0 $0x1;
	_ =	shalt  }
.Lfunc_end2:
_tile_overlayer_lowered:
.L_overlay_start_2:
0xa8: {  	(tag) =	ssettag $0x2  }
0xa9: {  	s0 =	rddreg [dreg:$0x0];
	s2 =	stileid.u32  }
0xaa: {  	s1 =	rddreg [dreg:$0x1];
	p0 =	sne.s32 s2, $0x0  }
0xab: {  	s3 =	rddreg [dreg:$0x2];
	[bflag:$0x3] =	sbarrier.arrive $0xFFFF;
	s2 =	simm.s32 @!p0 $0x1C03  }
0xac: {  	[timem:s3], [sflag:s2] =	dma.local @!p0 [hbm:s0], s1  }
0xad: {  	s0 =	simm.s32 @!p0 $0x3  }
0xae: {  	_ =	swait.ge @!p0 [sflag:s0], s1  }
0xaf: {  	s1 =	ssub.s32 @!p0 $0x0, s1;
	[sflag:s0] =	ssyncset.done @!p0 $0x0  }
0xb0: {  	[sflag:s0] =	ssyncadd.s32 @!p0 s1  }
0xb1: {  	[bflag:$0x3] =	sbarrier.arrive $0xFFFF  }
0xb2: {  	_ =	shalt  }

</sc_bundles>
